<compile_context>
chip_gen: v7x
topology: tpu7x:2x2x1
jax: 0.10.2.dev20260603
libtpu: 0.0.44.dev20260713+nightly
codegen_flags: <defaults>
</compile_context>

<pallas_src>
import functools

import jax
import jax.numpy as jnp
from jax import lax
from jax.experimental import pallas as pl
from jax.experimental.pallas import tpu as pltpu
from jax.experimental.pallas import tpu_sc as plsc

_R, _S = 65536, 128
_BR = 8192
_NC, _NS, _L = 2, 16, 16
_NW = _NC * _NS
_BPW = _R // _NW
_CH = 128
_NCH = _BPW // _CH


_HBR = _BR // 2


def _count(w):
    i = lax.broadcasted_iota(jnp.int32, (_S, _S), 0)
    j = lax.broadcasted_iota(jnp.int32, (_S, _S), 1)
    tri = (i <= j).astype(jnp.float32)
    hi = w.astype(jnp.bfloat16).astype(jnp.float32)
    r1 = w - hi
    mid = r1.astype(jnp.bfloat16).astype(jnp.float32)
    lo = r1 - mid
    dn = (((0,), (1,)), ((), ()))
    cumT = (lax.dot_general(tri, lo, dn, preferred_element_type=jnp.float32)
            + lax.dot_general(tri, mid, dn, preferred_element_type=jnp.float32)
            + lax.dot_general(tri, hi, dn, preferred_element_type=jnp.float32))
    return jnp.sum(jnp.where(cumT < 0.5, 1.0, 0.0), axis=0)


def _tc_index_body(wa_ref, wb_ref, idx_ref):
    cnt = jnp.concatenate([_count(wa_ref[...]), _count(wb_ref[...])])
    cnt = jnp.minimum(cnt, float(_S - 1))
    row = lax.broadcasted_iota(jnp.int32, (_BR,), 0)
    base = pl.program_id(0) * _BR
    idx_ref[...] = (base + row) * _S + cnt.astype(jnp.int32)


_tc_index = pl.pallas_call(
    _tc_index_body,
    grid=(_R // _BR,),
    in_specs=[pl.BlockSpec((_HBR, _S), lambda i: (2 * i, 0)),
              pl.BlockSpec((_HBR, _S), lambda i: (2 * i + 1, 0))],
    out_specs=pl.BlockSpec((_BR,), lambda i: (i,)),
    out_shape=jax.ShapeDtypeStruct((_R,), jnp.int32),
)


def _sc_gather_body(idx_hbm, s_hbm, e_hbm, out_hbm, idx_v, sv, ev, sem_s, sem_e):
    wid = lax.axis_index("s") * _NC + lax.axis_index("c")
    base = wid * _BPW
    pltpu.sync_copy(idx_hbm.at[wid], idx_v)

    def fire(j, carry):
        dst = pl.ds(j * _CH, _CH)
        pltpu.make_async_copy(s_hbm.at[idx_v.at[j]], sv.at[dst], sem_s).start()
        pltpu.make_async_copy(e_hbm.at[idx_v.at[j]], ev.at[dst], sem_e).start()
        return carry

    def drain(j, carry):
        dst = pl.ds(j * _CH, _CH)
        pltpu.make_async_copy(s_hbm.at[idx_v.at[j]], sv.at[dst], sem_s).wait()
        pltpu.make_async_copy(e_hbm.at[idx_v.at[j]], ev.at[dst], sem_e).wait()
        return carry

    lax.fori_loop(0, _NCH, fire, 0)
    lax.fori_loop(0, _NCH, drain, 0)

    def body(i, carry):
        for u in range(4):
            sl = pl.ds((i * 4 + u) * _L, _L)
            sv[sl] = (sv[sl] + ev[sl]) * 0.5
        return carry

    lax.fori_loop(0, _BPW // (4 * _L), body, 0)
    pltpu.sync_copy(sv, out_hbm.at[pl.ds(base, _BPW)])


@functools.cache
def _make_sc_gather():
    mesh = plsc.VectorSubcoreMesh(core_axis_name="c", subcore_axis_name="s")
    return pl.kernel(
        _sc_gather_body,
        mesh=mesh,
        out_type=jax.ShapeDtypeStruct((_R,), jnp.float32),
        scratch_types=[
            pltpu.VMEM((_NCH, _CH), jnp.int32),
            pltpu.VMEM((_BPW,), jnp.float32),
            pltpu.VMEM((_BPW,), jnp.float32),
            pltpu.SemaphoreType.DMA,
            pltpu.SemaphoreType.DMA,
        ],
    )


def kernel(weights, starts, ends):
    w = weights.reshape(_R, _S)
    fidx = _tc_index(w, w).reshape(_NW, _NCH, _CH)
    s_flat = starts.reshape(_R * _S)
    e_flat = ends.reshape(_R * _S)
    depth = _make_sc_gather()(fidx, s_flat, e_flat)
    return depth.reshape(_R, 1)

# --- scband reference (transcript-rebuilt; emitter-appended) ---
"""Pipeline reference for scband-depth-renderer-70755291234861 (READ-ONLY COPY).

The authoritative reference and input builder live on the scoring server;
editing this copy changes nothing except your own understanding.
"""

import jax, jax.numpy as jnp
import numpy as np

R, S = 65536, 128

def setup_inputs(seed: int = 0) -> dict:
    key = jax.random.key(seed)
    k1, k2, k3 = jax.random.split(key, 3)
    weights = jax.random.uniform(k1, (R, S, 1), dtype=jnp.float32)
    starts = jax.random.uniform(k2, (R, S, 1), dtype=jnp.float32)
    ends = jax.random.uniform(k3, (R, S, 1), dtype=jnp.float32)
    return {"weights": weights, "starts": starts, "ends": ends}

def reference(weights, starts, ends):
    # DepthRenderer(method='median').forward
    # ray_samples.frustums.starts/ends are materialized as `starts`/`ends`.
    steps = (starts + ends) / 2.0  # [R, S, 1]
    cumulative_weights = jnp.cumsum(weights[..., 0], axis=-1)  # [R, S]
    split = jnp.full(weights.shape[:-2] + (1,), 0.5, dtype=weights.dtype)  # [R, 1]
    median_index = jax.vmap(lambda a, v: jnp.searchsorted(a, v, side='left'))(cumulative_weights, split)  # [R, 1]
    median_index = jnp.clip(median_index, 0, steps.shape[-2] - 1)
    median_depth = jnp.take_along_axis(steps[..., 0], median_index, axis=-1)  # [R, 1]
    return median_depth

if __name__ == "__main__":
    import jax
    _d = setup_inputs()
    print(jax.jit(kernel)(*tuple(_d.values())))

</pallas_src>

<mosaic_0001>
#map = affine_map<(d0, d1) -> (0, 0, 0)>
#map1 = affine_map<(d0, d1) -> (0)>
module attributes {stable_mosaic.version = 14 : i64} {
  func.func @_sc_gather_body(%arg0: i32, %arg1: i32, %arg2: memref<32x16x128xi32, #tpu.memory_space<hbm>>, %arg3: memref<8388608xf32, #tpu.memory_space<hbm>>, %arg4: memref<8388608xf32, #tpu.memory_space<hbm>>, %arg5: memref<65536xf32, #tpu.memory_space<hbm>>, %arg6: memref<16x128xi32, #tpu.memory_space<vmem>>, %arg7: memref<2048xf32, #tpu.memory_space<vmem>>, %arg8: memref<2048xf32, #tpu.memory_space<vmem>>, %arg9: memref<!tpu.dma_semaphore, #tpu.memory_space<semaphore_mem>>, %arg10: memref<!tpu.dma_semaphore, #tpu.memory_space<semaphore_mem>>) attributes {dimension_semantics = [#tpu.dimension_semantics<core_parallel>, #tpu.dimension_semantics<subcore_parallel>], iteration_bounds = array<i64: 2, 16>, scalar_prefetch = 0 : i64, scratch_operands = 5 : i64, tpu.core_type = #tpu.core_type<sc_vector_subcore>, window_params = [{transform_indices = #map}, {transform_indices = #map1}, {transform_indices = #map1}, {transform_indices = #map1}]} {
    %mul3A = arith.constant 2 : i32
    %mul3A_0 = arith.muli %arg1, %mul3A : i32
    %add3A = arith.addi %mul3A_0, %arg0 : i32
    %mul3A_1 = arith.constant 2048 : i32
    %mul3A_2 = arith.muli %add3A, %mul3A_1 : i32
    "tpu.region"() ({
      %run_scoped3A = tpu.sem_alloc : memref<!tpu.dma_semaphore, #tpu.memory_space<semaphore_mem>>
      %dma_start3A = arith.constant 0 : i32
      %dma_start3A_20 = arith.constant 0 : i32
      %dma_start3A_21 = tpu.memref_slice %arg2[%add3A, %dma_start3A, %dma_start3A_20] : memref<32x16x128xi32, #tpu.memory_space<hbm>> -> memref<1x16x128xi32, #tpu.memory_space<hbm>>
      %dma_start3A_22 = tpu.memref_squeeze %dma_start3A_21 : memref<1x16x128xi32, #tpu.memory_space<hbm>> -> memref<16x128xi32, #tpu.memory_space<hbm>>
      %dma_start3A_23 = arith.constant 0 : i32
      %dma_start3A_24 = arith.constant 0 : i32
      %dma_start3A_25 = tpu.memref_slice %arg2[%add3A, %dma_start3A_23, %dma_start3A_24] : memref<32x16x128xi32, #tpu.memory_space<hbm>> -> memref<1x16x128xi32, #tpu.memory_space<hbm>>
      %dma_start3A_26 = tpu.memref_squeeze %dma_start3A_25 : memref<1x16x128xi32, #tpu.memory_space<hbm>> -> memref<16x128xi32, #tpu.memory_space<hbm>>
      tpu.enqueue_dma source(%dma_start3A_26 : memref<16x128xi32, #tpu.memory_space<hbm>>) target(%arg6 : memref<16x128xi32, #tpu.memory_space<vmem>>) target_semaphore(%run_scoped3A : memref<!tpu.dma_semaphore, #tpu.memory_space<semaphore_mem>>)
      %dma_wait3A = arith.constant 0 : i32
      %dma_wait3A_27 = arith.constant 0 : i32
      %dma_wait3A_28 = tpu.memref_slice %arg2[%add3A, %dma_wait3A, %dma_wait3A_27] : memref<32x16x128xi32, #tpu.memory_space<hbm>> -> memref<1x16x128xi32, #tpu.memory_space<hbm>>
      %dma_wait3A_29 = tpu.memref_squeeze %dma_wait3A_28 : memref<1x16x128xi32, #tpu.memory_space<hbm>> -> memref<16x128xi32, #tpu.memory_space<hbm>>
      %dma_wait3A_30 = arith.constant 0 : i32
      %dma_wait3A_31 = arith.constant 0 : i32
      %dma_wait3A_32 = tpu.memref_slice %arg2[%add3A, %dma_wait3A_30, %dma_wait3A_31] : memref<32x16x128xi32, #tpu.memory_space<hbm>> -> memref<1x16x128xi32, #tpu.memory_space<hbm>>
      %dma_wait3A_33 = tpu.memref_squeeze %dma_wait3A_32 : memref<1x16x128xi32, #tpu.memory_space<hbm>> -> memref<16x128xi32, #tpu.memory_space<hbm>>
      tpu.wait_dma2 semaphore(%run_scoped3A : memref<!tpu.dma_semaphore, #tpu.memory_space<semaphore_mem>>) src(%dma_wait3A_33 : memref<16x128xi32, #tpu.memory_space<hbm>>) dst(%arg6 : memref<16x128xi32, #tpu.memory_space<vmem>>)
      tpu.yield
    }) : () -> ()
    %scan3A = arith.constant 0 : i32
    %scan3A_3 = arith.constant 0 : i32
    %scan3A_4 = arith.constant 16 : i32
    %scan3A_5 = arith.addi %scan3A_3, %scan3A_4 : i32
    %scan3A_6 = arith.constant 1 : i32
    scf.for %scan3A_20 = %scan3A_3 to %scan3A_5 step %scan3A_6  : i32 {
      %mul3A_21 = arith.constant 128 : i32
      %mul3A_22 = arith.muli %scan3A_20, %mul3A_21 : i32
      %dma_start3A = tpu.memref_slice %arg7[%mul3A_22] : memref<2048xf32, #tpu.memory_space<vmem>> -> memref<128xf32, #tpu.memory_space<vmem>>
      %dma_start3A_23 = arith.constant 0 : i32
      %dma_start3A_24 = tpu.memref_slice %arg6[%scan3A_20, %dma_start3A_23] : memref<16x128xi32, #tpu.memory_space<vmem>> -> memref<1x128xi32, #tpu.memory_space<vmem>>
      %dma_start3A_25 = tpu.memref_squeeze %dma_start3A_24 : memref<1x128xi32, #tpu.memory_space<vmem>> -> memref<128xi32, #tpu.memory_space<vmem>>
      %dma_start3A_26 = arith.constant 0 : i32
      %dma_start3A_27 = tpu.memref_slice %arg3[%dma_start3A_26] : memref<8388608xf32, #tpu.memory_space<hbm>> -> memref<8388608xf32, #tpu.memory_space<hbm>>
      tpu.enqueue_indirect_dma source(%dma_start3A_27 : memref<8388608xf32, #tpu.memory_space<hbm>>) target(%dma_start3A : memref<128xf32, #tpu.memory_space<vmem>>) offsets(%dma_start3A_25 : memref<128xi32, #tpu.memory_space<vmem>>) semaphore(%arg9 : memref<!tpu.dma_semaphore, #tpu.memory_space<semaphore_mem>>)
      %dma_start3A_28 = tpu.memref_slice %arg8[%mul3A_22] : memref<2048xf32, #tpu.memory_space<vmem>> -> memref<128xf32, #tpu.memory_space<vmem>>
      %dma_start3A_29 = arith.constant 0 : i32
      %dma_start3A_30 = tpu.memref_slice %arg6[%scan3A_20, %dma_start3A_29] : memref<16x128xi32, #tpu.memory_space<vmem>> -> memref<1x128xi32, #tpu.memory_space<vmem>>
      %dma_start3A_31 = tpu.memref_squeeze %dma_start3A_30 : memref<1x128xi32, #tpu.memory_space<vmem>> -> memref<128xi32, #tpu.memory_space<vmem>>
      %dma_start3A_32 = arith.constant 0 : i32
      %dma_start3A_33 = tpu.memref_slice %arg4[%dma_start3A_32] : memref<8388608xf32, #tpu.memory_space<hbm>> -> memref<8388608xf32, #tpu.memory_space<hbm>>
      tpu.enqueue_indirect_dma source(%dma_start3A_33 : memref<8388608xf32, #tpu.memory_space<hbm>>) target(%dma_start3A_28 : memref<128xf32, #tpu.memory_space<vmem>>) offsets(%dma_start3A_31 : memref<128xi32, #tpu.memory_space<vmem>>) semaphore(%arg10 : memref<!tpu.dma_semaphore, #tpu.memory_space<semaphore_mem>>)
    }
    %scan3A_7 = arith.constant 16 : i32
    %scan3A_8 = arith.constant 0 : i32
    %scan3A_9 = arith.constant 0 : i32
    %scan3A_10 = arith.constant 16 : i32
    %scan3A_11 = arith.addi %scan3A_9, %scan3A_10 : i32
    %scan3A_12 = arith.constant 1 : i32
    scf.for %scan3A_20 = %scan3A_9 to %scan3A_11 step %scan3A_12  : i32 {
      %mul3A_21 = arith.constant 128 : i32
      %mul3A_22 = arith.muli %scan3A_20, %mul3A_21 : i32
      %dma_wait3A = tpu.memref_slice %arg7[%mul3A_22] : memref<2048xf32, #tpu.memory_space<vmem>> -> memref<128xf32, #tpu.memory_space<vmem>>
      %dma_wait3A_23 = arith.constant 0 : i32
      %dma_wait3A_24 = tpu.memref_slice %arg6[%scan3A_20, %dma_wait3A_23] : memref<16x128xi32, #tpu.memory_space<vmem>> -> memref<1x128xi32, #tpu.memory_space<vmem>>
      %dma_wait3A_25 = tpu.memref_squeeze %dma_wait3A_24 : memref<1x128xi32, #tpu.memory_space<vmem>> -> memref<128xi32, #tpu.memory_space<vmem>>
      %dma_wait3A_26 = arith.constant 0 : i32
      %dma_wait3A_27 = tpu.memref_slice %arg3[%dma_wait3A_26] : memref<8388608xf32, #tpu.memory_space<hbm>> -> memref<8388608xf32, #tpu.memory_space<hbm>>
      tpu.wait_indirect_dma semaphore(%arg9 : memref<!tpu.dma_semaphore, #tpu.memory_space<semaphore_mem>>) src(%dma_wait3A_27 : memref<8388608xf32, #tpu.memory_space<hbm>>) dst(%dma_wait3A : memref<128xf32, #tpu.memory_space<vmem>>)
      %dma_wait3A_28 = tpu.memref_slice %arg8[%mul3A_22] : memref<2048xf32, #tpu.memory_space<vmem>> -> memref<128xf32, #tpu.memory_space<vmem>>
      %dma_wait3A_29 = arith.constant 0 : i32
      %dma_wait3A_30 = tpu.memref_slice %arg6[%scan3A_20, %dma_wait3A_29] : memref<16x128xi32, #tpu.memory_space<vmem>> -> memref<1x128xi32, #tpu.memory_space<vmem>>
      %dma_wait3A_31 = tpu.memref_squeeze %dma_wait3A_30 : memref<1x128xi32, #tpu.memory_space<vmem>> -> memref<128xi32, #tpu.memory_space<vmem>>
      %dma_wait3A_32 = arith.constant 0 : i32
      %dma_wait3A_33 = tpu.memref_slice %arg4[%dma_wait3A_32] : memref<8388608xf32, #tpu.memory_space<hbm>> -> memref<8388608xf32, #tpu.memory_space<hbm>>
      tpu.wait_indirect_dma semaphore(%arg10 : memref<!tpu.dma_semaphore, #tpu.memory_space<semaphore_mem>>) src(%dma_wait3A_33 : memref<8388608xf32, #tpu.memory_space<hbm>>) dst(%dma_wait3A_28 : memref<128xf32, #tpu.memory_space<vmem>>)
    }
    %scan3A_13 = arith.constant 16 : i32
    %scan3A_14 = arith.constant 0 : i32
    %scan3A_15 = arith.constant 0 : i32
    %scan3A_16 = arith.constant 32 : i32
    %scan3A_17 = arith.addi %scan3A_15, %scan3A_16 : i32
    %scan3A_18 = arith.constant 1 : i32
    scf.for %scan3A_20 = %scan3A_15 to %scan3A_17 step %scan3A_18  : i32 {
      %mul3A_21 = arith.constant 4 : i32
      %mul3A_22 = arith.muli %scan3A_20, %mul3A_21 : i32
      %add3A_23 = arith.constant 0 : i32
      %add3A_24 = arith.addi %mul3A_22, %add3A_23 : i32
      %mul3A_25 = arith.constant 16 : i32
      %mul3A_26 = arith.muli %add3A_24, %mul3A_25 : i32
      %get3A = arith.index_cast %mul3A_26 : i32 to index
      %get3A_27 = tpu.vector_load %arg7[%get3A] {strides = array<i32>} : memref<2048xf32, #tpu.memory_space<vmem>>, vector<16xf32>,
      %get3A_28 = vector.shape_cast %get3A_27 : vector<16xf32> to vector<16xf32>
      %get3A_29 = arith.index_cast %mul3A_26 : i32 to index
      %get3A_30 = tpu.vector_load %arg8[%get3A_29] {strides = array<i32>} : memref<2048xf32, #tpu.memory_space<vmem>>, vector<16xf32>,
      %get3A_31 = vector.shape_cast %get3A_30 : vector<16xf32> to vector<16xf32>
      %add3A_32 = arith.addf %get3A_28, %get3A_31 : vector<16xf32>
      %mul3A_33 = arith.constant 5.000000e-01 : f32
      %mul3A_34 = vector.broadcast %mul3A_33 : f32 to vector<16xf32>
      %mul3A_35 = arith.mulf %add3A_32, %mul3A_34 : vector<16xf32>
      %swap3A = arith.index_cast %mul3A_26 : i32 to index
      %swap3A_36 = tpu.vector_load %arg7[%swap3A] {strides = array<i32>} : memref<2048xf32, #tpu.memory_space<vmem>>, vector<16xf32>,
      %swap3A_37 = vector.shape_cast %swap3A_36 : vector<16xf32> to vector<16xf32>
      %swap3A_38 = vector.shape_cast %mul3A_35 : vector<16xf32> to vector<16xf32>
      tpu.vector_store %arg7[%swap3A], %swap3A_38 {strides = array<i32>} : memref<2048xf32, #tpu.memory_space<vmem>>, vector<16xf32>,
      %mul3A_39 = arith.constant 4 : i32
      %mul3A_40 = arith.muli %scan3A_20, %mul3A_39 : i32
      %add3A_41 = arith.constant 1 : i32
      %add3A_42 = arith.addi %mul3A_40, %add3A_41 : i32
      %mul3A_43 = arith.constant 16 : i32
      %mul3A_44 = arith.muli %add3A_42, %mul3A_43 : i32
      %get3A_45 = arith.index_cast %mul3A_44 : i32 to index
      %get3A_46 = tpu.vector_load %arg7[%get3A_45] {strides = array<i32>} : memref<2048xf32, #tpu.memory_space<vmem>>, vector<16xf32>,
      %get3A_47 = vector.shape_cast %get3A_46 : vector<16xf32> to vector<16xf32>
      %get3A_48 = arith.index_cast %mul3A_44 : i32 to index
      %get3A_49 = tpu.vector_load %arg8[%get3A_48] {strides = array<i32>} : memref<2048xf32, #tpu.memory_space<vmem>>, vector<16xf32>,
      %get3A_50 = vector.shape_cast %get3A_49 : vector<16xf32> to vector<16xf32>
      %add3A_51 = arith.addf %get3A_47, %get3A_50 : vector<16xf32>
      %mul3A_52 = arith.constant 5.000000e-01 : f32
      %mul3A_53 = vector.broadcast %mul3A_52 : f32 to vector<16xf32>
      %mul3A_54 = arith.mulf %add3A_51, %mul3A_53 : vector<16xf32>
      %swap3A_55 = arith.index_cast %mul3A_44 : i32 to index
      %swap3A_56 = tpu.vector_load %arg7[%swap3A_55] {strides = array<i32>} : memref<2048xf32, #tpu.memory_space<vmem>>, vector<16xf32>,
      %swap3A_57 = vector.shape_cast %swap3A_56 : vector<16xf32> to vector<16xf32>
      %swap3A_58 = vector.shape_cast %mul3A_54 : vector<16xf32> to vector<16xf32>
      tpu.vector_store %arg7[%swap3A_55], %swap3A_58 {strides = array<i32>} : memref<2048xf32, #tpu.memory_space<vmem>>, vector<16xf32>,
      %mul3A_59 = arith.constant 4 : i32
      %mul3A_60 = arith.muli %scan3A_20, %mul3A_59 : i32
      %add3A_61 = arith.constant 2 : i32
      %add3A_62 = arith.addi %mul3A_60, %add3A_61 : i32
      %mul3A_63 = arith.constant 16 : i32
      %mul3A_64 = arith.muli %add3A_62, %mul3A_63 : i32
      %get3A_65 = arith.index_cast %mul3A_64 : i32 to index
      %get3A_66 = tpu.vector_load %arg7[%get3A_65] {strides = array<i32>} : memref<2048xf32, #tpu.memory_space<vmem>>, vector<16xf32>,
      %get3A_67 = vector.shape_cast %get3A_66 : vector<16xf32> to vector<16xf32>
      %get3A_68 = arith.index_cast %mul3A_64 : i32 to index
      %get3A_69 = tpu.vector_load %arg8[%get3A_68] {strides = array<i32>} : memref<2048xf32, #tpu.memory_space<vmem>>, vector<16xf32>,
      %get3A_70 = vector.shape_cast %get3A_69 : vector<16xf32> to vector<16xf32>
      %add3A_71 = arith.addf %get3A_67, %get3A_70 : vector<16xf32>
      %mul3A_72 = arith.constant 5.000000e-01 : f32
      %mul3A_73 = vector.broadcast %mul3A_72 : f32 to vector<16xf32>
      %mul3A_74 = arith.mulf %add3A_71, %mul3A_73 : vector<16xf32>
      %swap3A_75 = arith.index_cast %mul3A_64 : i32 to index
      %swap3A_76 = tpu.vector_load %arg7[%swap3A_75] {strides = array<i32>} : memref<2048xf32, #tpu.memory_space<vmem>>, vector<16xf32>,
      %swap3A_77 = vector.shape_cast %swap3A_76 : vector<16xf32> to vector<16xf32>
      %swap3A_78 = vector.shape_cast %mul3A_74 : vector<16xf32> to vector<16xf32>
      tpu.vector_store %arg7[%swap3A_75], %swap3A_78 {strides = array<i32>} : memref<2048xf32, #tpu.memory_space<vmem>>, vector<16xf32>,
      %mul3A_79 = arith.constant 4 : i32
      %mul3A_80 = arith.muli %scan3A_20, %mul3A_79 : i32
      %add3A_81 = arith.constant 3 : i32
      %add3A_82 = arith.addi %mul3A_80, %add3A_81 : i32
      %mul3A_83 = arith.constant 16 : i32
      %mul3A_84 = arith.muli %add3A_82, %mul3A_83 : i32
      %get3A_85 = arith.index_cast %mul3A_84 : i32 to index
      %get3A_86 = tpu.vector_load %arg7[%get3A_85] {strides = array<i32>} : memref<2048xf32, #tpu.memory_space<vmem>>, vector<16xf32>,
      %get3A_87 = vector.shape_cast %get3A_86 : vector<16xf32> to vector<16xf32>
      %get3A_88 = arith.index_cast %mul3A_84 : i32 to index
      %get3A_89 = tpu.vector_load %arg8[%get3A_88] {strides = array<i32>} : memref<2048xf32, #tpu.memory_space<vmem>>, vector<16xf32>,
      %get3A_90 = vector.shape_cast %get3A_89 : vector<16xf32> to vector<16xf32>
      %add3A_91 = arith.addf %get3A_87, %get3A_90 : vector<16xf32>
      %mul3A_92 = arith.constant 5.000000e-01 : f32
      %mul3A_93 = vector.broadcast %mul3A_92 : f32 to vector<16xf32>
      %mul3A_94 = arith.mulf %add3A_91, %mul3A_93 : vector<16xf32>
      %swap3A_95 = arith.index_cast %mul3A_84 : i32 to index
      %swap3A_96 = tpu.vector_load %arg7[%swap3A_95] {strides = array<i32>} : memref<2048xf32, #tpu.memory_space<vmem>>, vector<16xf32>,
      %swap3A_97 = vector.shape_cast %swap3A_96 : vector<16xf32> to vector<16xf32>
      %swap3A_98 = vector.shape_cast %mul3A_94 : vector<16xf32> to vector<16xf32>
      tpu.vector_store %arg7[%swap3A_95], %swap3A_98 {strides = array<i32>} : memref<2048xf32, #tpu.memory_space<vmem>>, vector<16xf32>,
    }
    %scan3A_19 = arith.constant 32 : i32
    "tpu.region"() ({
      %run_scoped3A = tpu.sem_alloc : memref<!tpu.dma_semaphore, #tpu.memory_space<semaphore_mem>>
      %dma_start3A = tpu.memref_slice %arg5[%mul3A_2] : memref<65536xf32, #tpu.memory_space<hbm>> -> memref<2048xf32, #tpu.memory_space<hbm>>
      %dma_start3A_20 = tpu.memref_slice %arg5[%mul3A_2] : memref<65536xf32, #tpu.memory_space<hbm>> -> memref<2048xf32, #tpu.memory_space<hbm>>
      tpu.enqueue_dma source(%arg7 : memref<2048xf32, #tpu.memory_space<vmem>>) target(%dma_start3A_20 : memref<2048xf32, #tpu.memory_space<hbm>>) target_semaphore(%run_scoped3A : memref<!tpu.dma_semaphore, #tpu.memory_space<semaphore_mem>>)
      %dma_wait3A = tpu.memref_slice %arg5[%mul3A_2] : memref<65536xf32, #tpu.memory_space<hbm>> -> memref<2048xf32, #tpu.memory_space<hbm>>
      %dma_wait3A_21 = tpu.memref_slice %arg5[%mul3A_2] : memref<65536xf32, #tpu.memory_space<hbm>> -> memref<2048xf32, #tpu.memory_space<hbm>>
      tpu.wait_dma2 semaphore(%run_scoped3A : memref<!tpu.dma_semaphore, #tpu.memory_space<semaphore_mem>>) src(%arg7 : memref<2048xf32, #tpu.memory_space<vmem>>) dst(%dma_wait3A_21 : memref<2048xf32, #tpu.memory_space<hbm>>)
      tpu.yield
    }) : () -> ()
    return
  }
}

module attributes {stable_mosaic.version = 14 : i64} {
  func.func @_tc_index_body(%arg0: i32, %arg1: memref<4096x128xf32, #tpu.memory_space<vmem>>, %arg2: memref<4096x128xf32, #tpu.memory_space<vmem>>, %arg3: memref<8192xi32, #tpu.memory_space<vmem>>) attributes {dimension_semantics = [#tpu.dimension_semantics<arbitrary>], iteration_bounds = array<i64: 8>, scalar_prefetch = 0 : i64, scratch_operands = 0 : i64, tpu.core_type = #tpu.core_type<tc>, window_params = [{transform_indices = @transform_0, window_bounds = array<i64: 4096, 128>}, {transform_indices = @transform_1, window_bounds = array<i64: 4096, 128>}, {transform_indices = @transform_2, window_bounds = array<i64: 8192>}]} {
    %get3A = arith.constant 0 : index
    %get3A_0 = arith.constant 0 : index
    %get3A_1 = vector.load %arg1[%get3A, %get3A_0] : memref<4096x128xf32, #tpu.memory_space<vmem>>, vector<4096x128xf32>
    %iota3A = tpu.iota {dimensions = array<i32: 0>} : vector<128x128xi32>
    %iota3A_2 = tpu.iota {dimensions = array<i32: 1>} : vector<128x128xi32>
    %le3A = arith.cmpi sle, %iota3A, %iota3A_2 : vector<128x128xi32>
    %convert_element_type3A = arith.extui %le3A : vector<128x128xi1> to vector<128x128xi32>
    %convert_element_type3A_3 = arith.sitofp %convert_element_type3A : vector<128x128xi32> to vector<128x128xf32>
    %convert_element_type3A_4 = arith.truncf %get3A_1 : vector<4096x128xf32> to vector<4096x128xbf16>
    %convert_element_type3A_5 = arith.extf %convert_element_type3A_4 : vector<4096x128xbf16> to vector<4096x128xf32>
    %sub3A = arith.subf %get3A_1, %convert_element_type3A_5 : vector<4096x128xf32>
    %convert_element_type3A_6 = arith.truncf %sub3A : vector<4096x128xf32> to vector<4096x128xbf16>
    %convert_element_type3A_7 = arith.extf %convert_element_type3A_6 : vector<4096x128xbf16> to vector<4096x128xf32>
    %sub3A_8 = arith.subf %sub3A, %convert_element_type3A_7 : vector<4096x128xf32>
    %dot_general3A = arith.constant dense<0.000000e+00> : vector<128x4096xf32>
    %dot_general3A_9 = tpu.matmul %convert_element_type3A_3, %sub3A_8, %dot_general3A {dimension_numbers = #tpu.dot_dimension_numbers<[0], [1], [1], [0], [0, 1, 1, 0], [], []>, transpose_lhs_hint = false} : vector<128x128xf32>, vector<4096x128xf32>, vector<128x4096xf32> -> vector<128x4096xf32>
    %dot_general3A_10 = arith.constant dense<0.000000e+00> : vector<128x4096xf32>
    %dot_general3A_11 = tpu.matmul %convert_element_type3A_3, %convert_element_type3A_7, %dot_general3A_10 {dimension_numbers = #tpu.dot_dimension_numbers<[0], [1], [1], [0], [0, 1, 1, 0], [], []>, transpose_lhs_hint = false} : vector<128x128xf32>, vector<4096x128xf32>, vector<128x4096xf32> -> vector<128x4096xf32>
    %add3A = arith.addf %dot_general3A_9, %dot_general3A_11 : vector<128x4096xf32>
    %dot_general3A_12 = arith.constant dense<0.000000e+00> : vector<128x4096xf32>
    %dot_general3A_13 = tpu.matmul %convert_element_type3A_3, %convert_element_type3A_5, %dot_general3A_12 {dimension_numbers = #tpu.dot_dimension_numbers<[0], [1], [1], [0], [0, 1, 1, 0], [], []>, transpose_lhs_hint = false} : vector<128x128xf32>, vector<4096x128xf32>, vector<128x4096xf32> -> vector<128x4096xf32>
    %add3A_14 = arith.addf %add3A, %dot_general3A_13 : vector<128x4096xf32>
    %lt3A = arith.constant 5.000000e-01 : f32
    %lt3A_15 = vector.broadcast %lt3A : f32 to vector<128x4096xf32>
    %lt3A_16 = arith.cmpf olt, %add3A_14, %lt3A_15 : vector<128x4096xf32>
    %jit3A = arith.constant 1.000000e+00 : f32
    %jit3A_17 = arith.constant 0.000000e+00 : f32
    %broadcast_in_dim3A = vector.broadcast %jit3A : f32 to vector<128x4096xf32>
    %broadcast_in_dim3A_18 = vector.broadcast %jit3A_17 : f32 to vector<128x4096xf32>
    %select_n3A = arith.select %lt3A_16, %broadcast_in_dim3A, %broadcast_in_dim3A_18 : vector<128x4096xi1>, vector<128x4096xf32>
    %reduce_sum3A = arith.constant dense<0.000000e+00> : vector<4096xf32>
    %reduce_sum3A_19 = vector.multi_reduction <add>, %select_n3A, %reduce_sum3A [0] : vector<128x4096xf32> to vector<4096xf32>
    %get3A_20 = arith.constant 0 : index
    %get3A_21 = arith.constant 0 : index
    %get3A_22 = vector.load %arg2[%get3A_20, %get3A_21] : memref<4096x128xf32, #tpu.memory_space<vmem>>, vector<4096x128xf32>
    %iota3A_23 = tpu.iota {dimensions = array<i32: 0>} : vector<128x128xi32>
    %iota3A_24 = tpu.iota {dimensions = array<i32: 1>} : vector<128x128xi32>
    %le3A_25 = arith.cmpi sle, %iota3A_23, %iota3A_24 : vector<128x128xi32>
    %convert_element_type3A_26 = arith.extui %le3A_25 : vector<128x128xi1> to vector<128x128xi32>
    %convert_element_type3A_27 = arith.sitofp %convert_element_type3A_26 : vector<128x128xi32> to vector<128x128xf32>
    %convert_element_type3A_28 = arith.truncf %get3A_22 : vector<4096x128xf32> to vector<4096x128xbf16>
    %convert_element_type3A_29 = arith.extf %convert_element_type3A_28 : vector<4096x128xbf16> to vector<4096x128xf32>
    %sub3A_30 = arith.subf %get3A_22, %convert_element_type3A_29 : vector<4096x128xf32>
    %convert_element_type3A_31 = arith.truncf %sub3A_30 : vector<4096x128xf32> to vector<4096x128xbf16>
    %convert_element_type3A_32 = arith.extf %convert_element_type3A_31 : vector<4096x128xbf16> to vector<4096x128xf32>
    %sub3A_33 = arith.subf %sub3A_30, %convert_element_type3A_32 : vector<4096x128xf32>
    %dot_general3A_34 = arith.constant dense<0.000000e+00> : vector<128x4096xf32>
    %dot_general3A_35 = tpu.matmul %convert_element_type3A_27, %sub3A_33, %dot_general3A_34 {dimension_numbers = #tpu.dot_dimension_numbers<[0], [1], [1], [0], [0, 1, 1, 0], [], []>, transpose_lhs_hint = false} : vector<128x128xf32>, vector<4096x128xf32>, vector<128x4096xf32> -> vector<128x4096xf32>
    %dot_general3A_36 = arith.constant dense<0.000000e+00> : vector<128x4096xf32>
    %dot_general3A_37 = tpu.matmul %convert_element_type3A_27, %convert_element_type3A_32, %dot_general3A_36 {dimension_numbers = #tpu.dot_dimension_numbers<[0], [1], [1], [0], [0, 1, 1, 0], [], []>, transpose_lhs_hint = false} : vector<128x128xf32>, vector<4096x128xf32>, vector<128x4096xf32> -> vector<128x4096xf32>
    %add3A_38 = arith.addf %dot_general3A_35, %dot_general3A_37 : vector<128x4096xf32>
    %dot_general3A_39 = arith.constant dense<0.000000e+00> : vector<128x4096xf32>
    %dot_general3A_40 = tpu.matmul %convert_element_type3A_27, %convert_element_type3A_29, %dot_general3A_39 {dimension_numbers = #tpu.dot_dimension_numbers<[0], [1], [1], [0], [0, 1, 1, 0], [], []>, transpose_lhs_hint = false} : vector<128x128xf32>, vector<4096x128xf32>, vector<128x4096xf32> -> vector<128x4096xf32>
    %add3A_41 = arith.addf %add3A_38, %dot_general3A_40 : vector<128x4096xf32>
    %lt3A_42 = arith.constant 5.000000e-01 : f32
    %lt3A_43 = vector.broadcast %lt3A_42 : f32 to vector<128x4096xf32>
    %lt3A_44 = arith.cmpf olt, %add3A_41, %lt3A_43 : vector<128x4096xf32>
    %jit3A_45 = arith.constant 1.000000e+00 : f32
    %jit3A_46 = arith.constant 0.000000e+00 : f32
    %broadcast_in_dim3A_47 = vector.broadcast %jit3A_45 : f32 to vector<128x4096xf32>
    %broadcast_in_dim3A_48 = vector.broadcast %jit3A_46 : f32 to vector<128x4096xf32>
    %select_n3A_49 = arith.select %lt3A_44, %broadcast_in_dim3A_47, %broadcast_in_dim3A_48 : vector<128x4096xi1>, vector<128x4096xf32>
    %reduce_sum3A_50 = arith.constant dense<0.000000e+00> : vector<4096xf32>
    %reduce_sum3A_51 = vector.multi_reduction <add>, %select_n3A_49, %reduce_sum3A_50 [0] : vector<128x4096xf32> to vector<4096xf32>
    %concatenate3A = tpu.concatenate %reduce_sum3A_19, %reduce_sum3A_51 in 0 : vector<4096xf32>, vector<4096xf32> -> vector<8192xf32>
    %min3A = arith.constant 1.270000e+02 : f32
    %min3A_52 = vector.broadcast %min3A : f32 to vector<8192xf32>
    %min3A_53 = arith.minimumf %concatenate3A, %min3A_52 : vector<8192xf32>
    %iota3A_54 = tpu.iota {dimensions = array<i32: 1>} : vector<1x8192xi32>
    %iota3A_55 = vector.shape_cast %iota3A_54 : vector<1x8192xi32> to vector<8192xi32>
    %mul3A = arith.constant 8192 : i32
    %mul3A_56 = arith.muli %arg0, %mul3A : i32
    %add3A_57 = vector.broadcast %mul3A_56 : i32 to vector<8192xi32>
    %add3A_58 = arith.addi %add3A_57, %iota3A_55 : vector<8192xi32>
    %mul3A_59 = arith.constant 128 : i32
    %mul3A_60 = vector.broadcast %mul3A_59 : i32 to vector<8192xi32>
    %mul3A_61 = arith.muli %add3A_58, %mul3A_60 : vector<8192xi32>
    %convert_element_type3A_62 = arith.fptosi %min3A_53 : vector<8192xf32> to vector<8192xi32>
    %add3A_63 = arith.addi %mul3A_61, %convert_element_type3A_62 : vector<8192xi32>
    %swap3A = arith.constant 0 : index
    %swap3A_64 = vector.load %arg3[%swap3A] : memref<8192xi32, #tpu.memory_space<vmem>>, vector<8192xi32>
    tpu.vector_store %arg3[%swap3A], %add3A_63 {strides = array<i32>} : memref<8192xi32, #tpu.memory_space<vmem>>, vector<8192xi32>,
    return
  }
  func.func @transform_0(%arg0: i32) -> (i32, i32) {
    %mul3A = arith.constant 2 : i32
    %mul3A_0 = arith.muli %mul3A, %arg0 : i32
    %c0_i32 = arith.constant 0 : i32
    %c0_i32_1 = arith.constant 0 : i32
    return %mul3A_0, %c0_i32 : i32, i32
  }
  func.func @transform_1(%arg0: i32) -> (i32, i32) {
    %mul3A = arith.constant 2 : i32
    %mul3A_0 = arith.muli %mul3A, %arg0 : i32
    %add3A = arith.constant 1 : i32
    %add3A_1 = arith.addi %mul3A_0, %add3A : i32
    %c0_i32 = arith.constant 0 : i32
    %c0_i32_2 = arith.constant 0 : i32
    return %add3A_1, %c0_i32 : i32, i32
  }
  func.func @transform_2(%arg0: i32) -> i32 {
    %c0_i32 = arith.constant 0 : i32
    return %arg0 : i32
  }
}

</mosaic_0001>

<sc_bundles>
// kernel: kernel.4.cloned.1.call-start
scs
__scs_entry_jumppad:
0x0: {  	(pc) =	sbr.rel $0x88, $3  }
0x1: {  	(tag) =	ssettag $0x0;
	lr =	simm.s32 $0x1  }
0x2: {  	[smem:$0x3F9E] =	sst lr;
	_ =	strace $0xD0000000  }
0x3: {  	_ = 	snop  }
0x4: {  	_ = 	snop  }
0x5: {  	_ = 	snop  }
0x6: {  	_ = 	snop  }
0x7: {  	_ = 	snop  }
__scs_overlays_trampoline_lowered:
0x8: {  	[smem:$0x3FAD] =	sst s0  }
0x9: {  	[smem:$0x3FAE] =	sst s1  }
0xa: {  	[smem:$0x3FAF] =	sst s2  }
0xb: {  	[smem:$0x3FB0] =	sst s3  }
0xc: {  	[smem:$0x3FB1] =	sst s4  }
0xd: {  	[smem:$0x3FB2] =	sst s5  }
0xe: {  	[smem:$0x3FB3] =	sst s6  }
0xf: {  	[smem:$0x3FB4] =	sst s7  }
0x10: {  	[smem:$0x3FB5] =	sst s8  }
0x11: {  	[smem:$0x3FB6] =	sst s9;
	s0 =	simm.s32 @!p0 $0x0  }
0x12: {  	s1 =	sld [smem:$0x3F9C];
	s0 =	simm.s32 @p0 $0x1  }
0x13: {  	[smem:$0x3FB7] =	sst s0;
	s0 =	simm.s32 @!p1 $0x0  }
0x14: {  	s2 =	sld [smem:$0x3F9B];
	s0 =	simm.s32 @p1 $0x1  }
0x15: {  	[smem:$0x3FB8] =	sst s0;
	s0 =	simm.s32 @!p2 $0x0  }
0x16: {  	s3 =	sld [smem:$0x3FDB];
	s0 =	simm.s32 @p2 $0x1  }
0x17: {  	s4 =	simm.s32 $0x1BF5;
	[smem:$0x3FBA] =	sst s0  }
0x18: {  	s0 =	sld [smem:$0x3F9D];
	_ =	swait.ge [sflag:s4], $0x0  }
0x19: {  	s7 =	sld [smem:$0x3F9E]  }
0x1a: {  	s8 =	sadd.s32 $0xFFFFE003, lr  }
0x1b: {  	s9 =	sadd.s32 $0xFFFFFEF7, lr;
	s5 =	simm.s32 $0xFFFFFFFF;
	p2 =	slt.u32 s8, $0xFFFFF086  }
0x1c: {  	p1 =	slt.u32 s9, $0xF7A;
	s5 =	simm.s32 @!p2 $0x0  }
0x1d: {  	s5 =	simm.s32 @p1 $0x1;
	p0 =	seq.s32 s7, s2  }
0x1e: {  	s7 =	smul.u32 @!p0 $0xF7A, s2;
	p2 =	seq.s32 @!p0 s5, $0x0  }
0x1f: {  	s9 =	smul.u32 $0xF7A, s1;
	s8 =	simm.s32 @!p0 $0x1BF5;
	p2 =	por !p2, p0  }
0x20: {  	[sflag:s8] =	ssyncset.s32 @!p0 $0xFFFFF086;
	s6 =	sadd.s32 @!p0 s3, s7;
	s7 =	simm.s32 @!p0 $0x108  }
0x21: {  	s3 =	sadd.s32 s3, s9;
	s6 =	sadd.s32 @!p0 $0x88, s6;
	s7 =	simm.s32 @p2 $0x1082  }
0x22: {  	[simem:s7], [sflag:s8] =	dma.local @!p0 [hbm:s6], $0xF7A  }
0x23: {  	s9 =	sor.u32 $0xD0000000, s2;
	s6 =	simm.s32 $0x108;
	_ =	swait.ge @!p0 [sflag:s8], $0x0  }
0x24: {  	s3 =	sadd.s32 $0x88, s3;
	s6 =	simm.s32 @!p1 $0x1082;
	[sflag:s4] =	ssyncset.s32 $0xFFFFF086  }
0x25: {  	[simem:s6], [sflag:s4] =	dma.local [hbm:s3], $0xF7A  }
0x26: {  	[smem:$0x3F9E] =	sst s1;
	(tag) =	ssettag s2;
	_ =	strace s9  }
0x27: {  	s1 =	sld [smem:$0x3FAE]  }
0x28: {  	s2 =	sld [smem:$0x3FAF]  }
0x29: {  	s4 =	sld [smem:$0x3FB1]  }
0x2a: {  	p0 =	seq.s32 s5, $0x0;
	s5 =	sld [smem:$0x3FB2]  }
0x2b: {  	s6 =	sld [smem:$0x3FB3]  }
0x2c: {  	s7 =	sld [smem:$0x3FB4]  }
0x2d: {  	s3 =	simm.s32 $0x108;
	s8 =	sld [smem:$0x3FB5]  }
0x2e: {  	s3 =	simm.s32 @!p0 $0x1082;
	s9 =	sld [smem:$0x3FB6]  }
0x2f: {  	lr =	sadd.s32 s0, s3;
	s0 =	sld [smem:$0x3FAD]  }
0x30: {  	s3 =	sld [smem:$0x3FB0]  }
0x31: {  	[smem:$0x3FB9] =	sst s10  }
0x32: {  	s10 =	sld [smem:$0x3FB7];
	_ =	sdelay $0x3  }
0x33: {  	p0 =	seq.s32 s10, $0x1;
	s10 =	sld [smem:$0x3FB9];
	_ =	sdelay $0x3  }
0x34: {  	[smem:$0x3FB9] =	sst s10  }
0x35: {  	s10 =	sld [smem:$0x3FB8];
	_ =	sdelay $0x3  }
0x36: {  	p1 =	seq.s32 s10, $0x1;
	s10 =	sld [smem:$0x3FB9];
	_ =	sdelay $0x3  }
0x37: {  	[smem:$0x3FB9] =	sst s10  }
0x38: {  	s10 =	sld [smem:$0x3FBA]  }
0x39: {  	_ = 	snop;
	(pc) =	sbr.ind lr, $3  }
0x3a: {  	_ = 	snop  }
0x3b: {  	_ = 	snop  }
0x3c: {  	p2 =	seq.s32 s10, $0x1;
	s10 =	sld [smem:$0x3FB9]  }
0x3d: {  	_ =	shalt  }
0x3e: {  	_ =	shalt  }
0x3f: {  	_ =	shalt  }
0x40: {  	_ =	shalt  }
0x41: {  	_ =	shalt  }
0x42: {  	_ =	shalt  }
0x43: {  	_ =	shalt  }
0x44: {  	_ =	shalt  }
0x45: {  	_ =	shalt  }
0x46: {  	_ =	shalt  }
0x47: {  	_ =	shalt  }
0x48: {  	_ =	shalt  }
0x49: {  	_ =	shalt  }
0x4a: {  	_ =	shalt  }
0x4b: {  	_ =	shalt  }
0x4c: {  	_ =	shalt  }
0x4d: {  	_ =	shalt  }
0x4e: {  	_ =	shalt  }
0x4f: {  	_ =	shalt  }
0x50: {  	_ =	shalt  }
0x51: {  	_ =	shalt  }
0x52: {  	_ =	shalt  }
0x53: {  	_ =	shalt  }
0x54: {  	_ =	shalt  }
0x55: {  	_ =	shalt  }
0x56: {  	_ =	shalt  }
0x57: {  	_ =	shalt  }
0x58: {  	_ =	shalt  }
0x59: {  	_ =	shalt  }
0x5a: {  	_ =	shalt  }
0x5b: {  	_ =	shalt  }
0x5c: {  	_ =	shalt  }
0x5d: {  	_ =	shalt  }
0x5e: {  	_ =	shalt  }
0x5f: {  	_ =	shalt  }
0x60: {  	_ =	shalt  }
0x61: {  	_ =	shalt  }
0x62: {  	_ =	shalt  }
0x63: {  	_ =	shalt  }
0x64: {  	_ =	shalt  }
0x65: {  	_ =	shalt  }
0x66: {  	_ =	shalt  }
0x67: {  	_ =	shalt  }
0x68: {  	_ =	shalt  }
0x69: {  	_ =	shalt  }
0x6a: {  	_ =	shalt  }
0x6b: {  	_ =	shalt  }
0x6c: {  	_ =	shalt  }
0x6d: {  	_ =	shalt  }
0x6e: {  	_ =	shalt  }
0x6f: {  	_ =	shalt  }
0x70: {  	_ =	shalt  }
0x71: {  	_ =	shalt  }
0x72: {  	_ =	shalt  }
0x73: {  	_ =	shalt  }
0x74: {  	_ =	shalt  }
0x75: {  	_ =	shalt  }
0x76: {  	_ =	shalt  }
0x77: {  	_ =	shalt  }
0x78: {  	_ =	shalt  }
0x79: {  	_ =	shalt  }
0x7a: {  	_ =	shalt  }
0x7b: {  	_ =	shalt  }
0x7c: {  	_ =	shalt  }
0x7d: {  	_ =	shalt  }
0x7e: {  	_ =	shalt  }
0x7f: {  	_ =	shalt  }
0x80: {  	_ =	shalt  }
0x81: {  	_ =	shalt  }
0x82: {  	_ =	shalt  }
0x83: {  	_ =	shalt  }
0x84: {  	_ =	shalt  }
0x85: {  	_ =	shalt  }
0x86: {  	_ =	shalt  }
0x87: {  	_ =	shalt  }
.Lfunc_end0:
.L_simem_size_0:
called_computation_lowered:
.L_overlay_start_0:
0x88: {  	s2 =	sld [smem:$0x3FD9]  }
0x89: {  	s3 =	sld [smem:$0x3FFE];
	_ =	sdelay $0x1  }
0x8a: {  	s1 =	srdreg.scid  }
0x8b: {  	s0 =	sand.u32 $0x1, s1  }
0x8c: {  	s17 =	sshll.u32 s0, $0xA;
	s2 =	sadd.s32 s3, s2  }
0x8d: {  	s2 =	sadd.s32 s2, s17  }
0x8e: {  	[smem:$0x3FC5] =	sst s2  }
0x8f: {  	_ = 	snop  }
0x90: {  	s2 =	sld [smem:$0x3FC8]  }
0x91: {  	s18 =	sld [smem:$0x3FC7]  }
0x92: {  	s4 =	sld [smem:$0x3FD0];
	(tm) =	ssettm $0x1  }
0x93: {  	s5 =	sld [smem:$0x3FFB];
	_ =	sdelay $0x3  }
0x94: {  	_ =	strace s5  }
0x95: {  	s5 =	sld [smem:$0x3FFC];
	_ =	sdelay $0x3  }
0x96: {  	_ =	strace s5  }
0x97: {  	s5 =	sld [smem:$0x3FFD];
	_ =	sdelay $0x3  }
0x98: {  	_ =	strace s5  }
0x99: {  	_ =	strace $0x8FFFFFFF  }
0x9a: {  	s19 =	sld [smem:$0x3FDB];
	_ =	sdelay $0x1  }
0x9b: {  	s6 =	simm.s32 $_scs_section_size  }
0x9c: {  	s7 =	simm.s32 $_size__tile_overlayer_lowered;
	s8 =	simm.s32 $_tile_overlayer_lowered  }
0x9d: {  	s22 =	simm.s32 $0x1BFF;
	s21 =	sshll.u32 s8, $0x1;
	s5 =	sadd.s32 s6, s19  }
0x9e: {  	s9 =	simm.s32 $0x0;
	s20 =	sshll.u32 s7, $0x1;
	s7 =	sadd.s32 s21, s5  }
0x9f: {  	[timem:s9], [sflag:s22] =	dma.local [hbm:s7], s20  }
0xa0: {  	_ =	swait.ge [sflag:s22], s20  }
0xa1: {  	s6 =	ssub.s32 $0x0, s20;
	[sflag:s22] =	ssyncset.done $0x0  }
0xa2: {  	[sflag:s22] =	ssyncadd.s32 s6;
	_ =	sdelay $0x1  }
0xa3: {  	s23 =	simm.s32 $0x1B8B  }
0xa4: {  	_ =	swait.ge [sflag:s23], $0x1  }
0xa5: {  	[sflag:s23] =	ssyncset.done $0x0  }
0xa6: {  	s25 =	simm.s32 $0x1B8E;
	s24 =	sld [smem:$0x3FFE];
	[sflag:s23] =	ssyncadd.s32 $0xFFFFFFFF  }
0xa7: {  	s26 =	simm.s32 $execute0_lowered;
	[smem:$0x3FD2] =	sst s25  }
0xa8: {  	s7 =	sshll.u32 s26, $0x1;
	_ =	strace $0x80000046;
	[dreg:$0x1] =	wrdreg $0xFFFFFFFF  }
0xa9: {  	s28 =	simm.s32 $_size_execute0_lowered;
	s5 =	sadd.s32 s5, s7;
	[dreg:$0x0] =	wrdreg $0x0  }
0xaa: {  	s7 =	sshll.u32 s28, $0x1;
	[dreg:$0x2] =	wrdreg s5  }
0xab: {  	[dreg:$0x3] =	wrdreg s7  }
0xac: {  	[dreg:$0x4] =	wrdreg $0xC0  }
0xad: {  	_ =	task [dreg:s9], $0x5FFFF  }
0xae: {  	[dreg:$0x1] =	wrdreg $0xFFFFFFFF  }
0xaf: {  	[dreg:$0x0] =	wrdreg $0x60  }
0xb0: {  	[dreg:$0x2] =	wrdreg s24  }
0xb1: {  	[dreg:$0x3] =	wrdreg s2  }
0xb2: {  	[dreg:$0x4] =	wrdreg s18  }
0xb3: {  	[dreg:$0x5] =	wrdreg s4  }
0xb4: {  	[dreg:$0x6] =	wrdreg $0x9  }
0xb5: {  	_ =	task.clear_ibuf [dreg:s9], $0x7FFFF;
	_ =	strace $0x90000046  }
0xb6: {  	s29 =	simm.s32 $0x9;
	_ =	strace $0x80000048  }
0xb7: {  	_ =	swait.ge [sflag:s29], $0x1  }
0xb8: {  	[sflag:s29] =	ssyncadd.s32 $0xFFFFFFFF  }
0xb9: {  	_ =	strace $0x90000048  }
0xba: {  	_ =	sfence  }
0xbb: {  	s30 =	sld [smem:$0x0];
	_ =	sdelay $0x2  }
0xbc: {  	s31 =	sshll.u32 s1, $0xD;
	s1 =	sshrl.u32 s1, $0x2  }
0xbd: {  	s3 =	sand.u32 $0x4000, s31;
	s1 =	sadd.s32 s1, s30  }
0xbe: {  	s0 =	sor.u32 s3, s0;
	s1 =	sshll.u32 s1, $0x11  }
0xbf: {  	s0 =	sor.u32 s1, s0  }
0xc0: {  	s0 =	sadd.s32 $0x8F2B, s0  }
0xc1: {  	[sflag:s0] =	ssyncadd.remote.s32 $0x1  }
0xc2: {  	_ =	sfence.sel $0xFFFF  }
0xc3: {  	[dreg:$0x0] =	wrdreg $0xFFFFFFFF;
	(pc) =	sbr.abs _section_cstart, $3  }
0xc4: {  	[dreg:$0x1] =	wrdreg $0xFFFFFFFF  }
0xc5: {  	_ =	task.clear_ibuf [dreg:s9], $0x2FFFF;
	_ =	strace $0x9FFFFFFF  }
0xc6: {  	(tm) =	ssettm $0x7FFFFFFF  }
0xc7: {  	_ =	shalt  }
tec
execute0_lowered:
.L_overlay_start_1:
0x0: {  	(tag) =	ssettag $0x1  }
0x1: {  	s0 =	rddreg [dreg:$0x0]  }
0x2: {  	s1 =	rddreg [dreg:$0x1]  }
0x3: {  	s2 =	rddreg [dreg:$0x2]  }
0x4: {  	s3 =	rddreg [dreg:$0x3];
	s5 =	srdreg.scid;
	s4 =	simm.s32 $0x0  }
0x5: {  	s6 =	stileid.u32;
	s8 =	simm.s32 $0x3;
	s9 =	simm.s32 $0x80  }
0x6: {  	s10 =	simm.s32 $0x800;
	s14 =	simm.s32 $0x100;
	s17 =	simm.s32 $0x180  }
0x7: {  	s20 =	simm.s32 $0x200;
	s23 =	simm.s32 $0x280;
	s30 =	simm.s32 $0x380  }
0x8: {  	s13 =	simm.s32 $0x480;
	s18 =	simm.s32 $0x500;
	s22 =	simm.s32 $0x580  }
0x9: {  	s28 =	simm.s32 $0x600;
	s15 =	simm.s32 $0x700;
	s21 =	simm.s32 $0x780  }
0xa: {  	s24 =	simm.s32 $0xF80;
	s25 =	simm.s32 $0x1780;
	s29 =	simm.s32 $0x1  }
0xb: {  	s31 =	simm.s32 $0x2;
	s11 =	simm.s32 $0x0;
	s5 =	sand.u32 $0x1, s5  }
0xc: {  	s6 =	sshll.u32 s6, $0x9;
	s7 =	sshll.u32 s5, $0x8;
	s5 =	ssub.s32 $0x2, s5  }
0xd: {  	[smem:$0x7FF] =	sst s4;
	s6 =	sor.u32 s7, s6;
	s26 =	sshrl.u32 s5, $0x1  }
0xe: {  	_ =	strace $0x80000047;
	s0 =	sadd.s32 s6, s0;
	s7 =	ssub.s32 s5, s26  }
0xf: {  	s6 =	sadd.s32 s3, s6;
	s26 =	simm.s32 $0x300;
	s3 =	simm.s32 $0x400  }
0x10: {  	s5 =	sadd.s32 $0x600, s0;
	s7 =	smax.u32 s7, $0x1;
	s0 =	simm.s32 $0x680  }
.LBB2_1:
0x11: {  	[tilespmem:s4], [sflag:$0x3] =	stream.linear.gather [hbm4b:s5+s4], $0x800, $0x38;
	[tilespmem:$0x1800] =	vst v63  }
0x12: {  	_ =	swait.ge [sflag:s8], $0x800  }
0x13: {  	[sflag:s8] =	ssyncset.done $0x0  }
0x14: {  	[sflag:s8] =	ssyncadd.s32 $0xFFFFF800  }
0x15: {  	[tilespmem:s10], [sflag:$0x1] =	stream.indirect.gather [hbm4b:s1+s9], $0x1, s4, s9, $0xb8;
	[tilespmem:$0x1800] =	vst v63  }
0x16: {  	s12 =	simm.s32 $0x1000  }
0x17: {  	[tilespmem:s12], [sflag:$0x2] =	stream.indirect.gather [hbm4b:s2+s9], $0x1, s4, s9, $0xb8;
	[tilespmem:$0x1800] =	vst v63  }
0x18: {  	s16 =	simm.s32 $0x880  }
0x19: {  	[tilespmem:s16], [sflag:$0x1] =	stream.indirect.gather [hbm4b:s1+s9], $0x1, s9, s9, $0xb8;
	[tilespmem:$0x1800] =	vst v63  }
0x1a: {  	s19 =	simm.s32 $0x1080  }
0x1b: {  	[tilespmem:s19], [sflag:$0x2] =	stream.indirect.gather [hbm4b:s2+s9], $0x1, s9, s9, $0xb8;
	[tilespmem:$0x1800] =	vst v63  }
0x1c: {  	s16 =	simm.s32 $0x900  }
0x1d: {  	[tilespmem:s16], [sflag:$0x1] =	stream.indirect.gather [hbm4b:s1+s9], $0x1, s14, s9, $0xb8;
	[tilespmem:$0x1800] =	vst v63  }
0x1e: {  	s19 =	simm.s32 $0x1100  }
0x1f: {  	[tilespmem:s19], [sflag:$0x2] =	stream.indirect.gather [hbm4b:s2+s9], $0x1, s14, s9, $0xb8;
	[tilespmem:$0x1800] =	vst v63  }
0x20: {  	s16 =	simm.s32 $0x980  }
0x21: {  	[tilespmem:s16], [sflag:$0x1] =	stream.indirect.gather [hbm4b:s1+s9], $0x1, s17, s9, $0xb8;
	[tilespmem:$0x1800] =	vst v63  }
0x22: {  	s19 =	simm.s32 $0x1180  }
0x23: {  	[tilespmem:s19], [sflag:$0x2] =	stream.indirect.gather [hbm4b:s2+s9], $0x1, s17, s9, $0xb8;
	[tilespmem:$0x1800] =	vst v63  }
0x24: {  	s16 =	simm.s32 $0xA00  }
0x25: {  	[tilespmem:s16], [sflag:$0x1] =	stream.indirect.gather [hbm4b:s1+s9], $0x1, s20, s9, $0xb8;
	[tilespmem:$0x1800] =	vst v63  }
0x26: {  	s19 =	simm.s32 $0x1200  }
0x27: {  	[tilespmem:s19], [sflag:$0x2] =	stream.indirect.gather [hbm4b:s2+s9], $0x1, s20, s9, $0xb8;
	[tilespmem:$0x1800] =	vst v63  }
0x28: {  	s16 =	simm.s32 $0xA80  }
0x29: {  	[tilespmem:s16], [sflag:$0x1] =	stream.indirect.gather [hbm4b:s1+s9], $0x1, s23, s9, $0xb8;
	[tilespmem:$0x1800] =	vst v63  }
0x2a: {  	s19 =	simm.s32 $0x1280  }
0x2b: {  	[tilespmem:s19], [sflag:$0x2] =	stream.indirect.gather [hbm4b:s2+s9], $0x1, s23, s9, $0xb8;
	[tilespmem:$0x1800] =	vst v63  }
0x2c: {  	s16 =	simm.s32 $0xB00  }
0x2d: {  	[tilespmem:s16], [sflag:$0x1] =	stream.indirect.gather [hbm4b:s1+s9], $0x1, s26, s9, $0xb8;
	[tilespmem:$0x1800] =	vst v63  }
0x2e: {  	s19 =	simm.s32 $0x1300  }
0x2f: {  	[tilespmem:s19], [sflag:$0x2] =	stream.indirect.gather [hbm4b:s2+s9], $0x1, s26, s9, $0xb8;
	[tilespmem:$0x1800] =	vst v63  }
0x30: {  	s16 =	simm.s32 $0xB80  }
0x31: {  	[tilespmem:s16], [sflag:$0x1] =	stream.indirect.gather [hbm4b:s1+s9], $0x1, s30, s9, $0xb8;
	[tilespmem:$0x1800] =	vst v63  }
0x32: {  	s19 =	simm.s32 $0x1380  }
0x33: {  	[tilespmem:s19], [sflag:$0x2] =	stream.indirect.gather [hbm4b:s2+s9], $0x1, s30, s9, $0xb8;
	[tilespmem:$0x1800] =	vst v63  }
0x34: {  	s16 =	simm.s32 $0xC00  }
0x35: {  	[tilespmem:s16], [sflag:$0x1] =	stream.indirect.gather [hbm4b:s1+s9], $0x1, s3, s9, $0xb8;
	[tilespmem:$0x1800] =	vst v63  }
0x36: {  	s19 =	simm.s32 $0x1400  }
0x37: {  	[tilespmem:s19], [sflag:$0x2] =	stream.indirect.gather [hbm4b:s2+s9], $0x1, s3, s9, $0xb8;
	[tilespmem:$0x1800] =	vst v63  }
0x38: {  	s16 =	simm.s32 $0xC80  }
0x39: {  	[tilespmem:s16], [sflag:$0x1] =	stream.indirect.gather [hbm4b:s1+s9], $0x1, s13, s9, $0xb8;
	[tilespmem:$0x1800] =	vst v63  }
0x3a: {  	s19 =	simm.s32 $0x1480  }
0x3b: {  	[tilespmem:s19], [sflag:$0x2] =	stream.indirect.gather [hbm4b:s2+s9], $0x1, s13, s9, $0xb8;
	[tilespmem:$0x1800] =	vst v63  }
0x3c: {  	s16 =	simm.s32 $0xD00  }
0x3d: {  	[tilespmem:s16], [sflag:$0x1] =	stream.indirect.gather [hbm4b:s1+s9], $0x1, s18, s9, $0xb8;
	[tilespmem:$0x1800] =	vst v63  }
0x3e: {  	s19 =	simm.s32 $0x1500  }
0x3f: {  	[tilespmem:s19], [sflag:$0x2] =	stream.indirect.gather [hbm4b:s2+s9], $0x1, s18, s9, $0xb8;
	[tilespmem:$0x1800] =	vst v63  }
0x40: {  	s16 =	simm.s32 $0xD80  }
0x41: {  	[tilespmem:s16], [sflag:$0x1] =	stream.indirect.gather [hbm4b:s1+s9], $0x1, s22, s9, $0xb8;
	[tilespmem:$0x1800] =	vst v63  }
0x42: {  	s19 =	simm.s32 $0x1580  }
0x43: {  	[tilespmem:s19], [sflag:$0x2] =	stream.indirect.gather [hbm4b:s2+s9], $0x1, s22, s9, $0xb8;
	[tilespmem:$0x1800] =	vst v63  }
0x44: {  	s16 =	simm.s32 $0xE00  }
0x45: {  	[tilespmem:s16], [sflag:$0x1] =	stream.indirect.gather [hbm4b:s1+s9], $0x1, s28, s9, $0xb8;
	[tilespmem:$0x1800] =	vst v63  }
0x46: {  	s19 =	simm.s32 $0x1600  }
0x47: {  	[tilespmem:s19], [sflag:$0x2] =	stream.indirect.gather [hbm4b:s2+s9], $0x1, s28, s9, $0xb8;
	[tilespmem:$0x1800] =	vst v63  }
0x48: {  	s16 =	simm.s32 $0xE80  }
0x49: {  	[tilespmem:s16], [sflag:$0x1] =	stream.indirect.gather [hbm4b:s1+s9], $0x1, s0, s9, $0xb8;
	[tilespmem:$0x1800] =	vst v63  }
0x4a: {  	s19 =	simm.s32 $0x1680  }
0x4b: {  	[tilespmem:s19], [sflag:$0x2] =	stream.indirect.gather [hbm4b:s2+s9], $0x1, s0, s9, $0xb8;
	[tilespmem:$0x1800] =	vst v63  }
0x4c: {  	s16 =	simm.s32 $0xF00  }
0x4d: {  	[tilespmem:s16], [sflag:$0x1] =	stream.indirect.gather [hbm4b:s1+s9], $0x1, s15, s9, $0xb8;
	[tilespmem:$0x1800] =	vst v63  }
0x4e: {  	s19 =	simm.s32 $0x1700  }
0x4f: {  	[tilespmem:s19], [sflag:$0x2] =	stream.indirect.gather [hbm4b:s2+s9], $0x1, s15, s9, $0xb8;
	[tilespmem:$0x1800] =	vst v63  }
0x50: {  	_ = 	snop  }
0x51: {  	[tilespmem:s24], [sflag:$0x1] =	stream.indirect.gather [hbm4b:s1+s9], $0x1, s21, s9, $0xb8;
	[tilespmem:$0x1800] =	vst v63  }
0x52: {  	_ = 	snop  }
0x53: {  	[tilespmem:s25], [sflag:$0x2] =	stream.indirect.gather [hbm4b:s2+s9], $0x1, s21, s9, $0xb8;
	[tilespmem:$0x1800] =	vst v63  }
0x54: {  	_ =	swait.ge [sflag:s29], $0x80  }
0x55: {  	[sflag:s29] =	ssyncset.done $0x0  }
0x56: {  	[sflag:s29] =	ssyncadd.s32 $0xFFFFFF80  }
0x57: {  	_ =	swait.ge [sflag:s31], $0x80  }
0x58: {  	[sflag:s31] =	ssyncset.done $0x0  }
0x59: {  	[sflag:s31] =	ssyncadd.s32 $0xFFFFFF80  }
0x5a: {  	_ =	swait.ge [sflag:s29], $0x80  }
0x5b: {  	[sflag:s29] =	ssyncset.done $0x0  }
0x5c: {  	[sflag:s29] =	ssyncadd.s32 $0xFFFFFF80  }
0x5d: {  	_ =	swait.ge [sflag:s31], $0x80  }
0x5e: {  	[sflag:s31] =	ssyncset.done $0x0  }
0x5f: {  	[sflag:s31] =	ssyncadd.s32 $0xFFFFFF80  }
0x60: {  	_ =	swait.ge [sflag:s29], $0x80  }
0x61: {  	[sflag:s29] =	ssyncset.done $0x0  }
0x62: {  	[sflag:s29] =	ssyncadd.s32 $0xFFFFFF80  }
0x63: {  	_ =	swait.ge [sflag:s31], $0x80  }
0x64: {  	[sflag:s31] =	ssyncset.done $0x0  }
0x65: {  	[sflag:s31] =	ssyncadd.s32 $0xFFFFFF80  }
0x66: {  	_ =	swait.ge [sflag:s29], $0x80  }
0x67: {  	[sflag:s29] =	ssyncset.done $0x0  }
0x68: {  	[sflag:s29] =	ssyncadd.s32 $0xFFFFFF80  }
0x69: {  	_ =	swait.ge [sflag:s31], $0x80  }
0x6a: {  	[sflag:s31] =	ssyncset.done $0x0  }
0x6b: {  	[sflag:s31] =	ssyncadd.s32 $0xFFFFFF80  }
0x6c: {  	_ =	swait.ge [sflag:s29], $0x80  }
0x6d: {  	[sflag:s29] =	ssyncset.done $0x0  }
0x6e: {  	[sflag:s29] =	ssyncadd.s32 $0xFFFFFF80  }
0x6f: {  	_ =	swait.ge [sflag:s31], $0x80  }
0x70: {  	[sflag:s31] =	ssyncset.done $0x0  }
0x71: {  	[sflag:s31] =	ssyncadd.s32 $0xFFFFFF80  }
0x72: {  	_ =	swait.ge [sflag:s29], $0x80  }
0x73: {  	[sflag:s29] =	ssyncset.done $0x0  }
0x74: {  	[sflag:s29] =	ssyncadd.s32 $0xFFFFFF80  }
0x75: {  	_ =	swait.ge [sflag:s31], $0x80  }
0x76: {  	[sflag:s31] =	ssyncset.done $0x0  }
0x77: {  	[sflag:s31] =	ssyncadd.s32 $0xFFFFFF80  }
0x78: {  	_ =	swait.ge [sflag:s29], $0x80  }
0x79: {  	[sflag:s29] =	ssyncset.done $0x0  }
0x7a: {  	[sflag:s29] =	ssyncadd.s32 $0xFFFFFF80  }
0x7b: {  	_ =	swait.ge [sflag:s31], $0x80  }
0x7c: {  	[sflag:s31] =	ssyncset.done $0x0  }
0x7d: {  	[sflag:s31] =	ssyncadd.s32 $0xFFFFFF80  }
0x7e: {  	_ =	swait.ge [sflag:s29], $0x80  }
0x7f: {  	[sflag:s29] =	ssyncset.done $0x0  }
0x80: {  	[sflag:s29] =	ssyncadd.s32 $0xFFFFFF80  }
0x81: {  	_ =	swait.ge [sflag:s31], $0x80  }
0x82: {  	[sflag:s31] =	ssyncset.done $0x0  }
0x83: {  	[sflag:s31] =	ssyncadd.s32 $0xFFFFFF80  }
0x84: {  	_ =	swait.ge [sflag:s29], $0x80  }
0x85: {  	[sflag:s29] =	ssyncset.done $0x0  }
0x86: {  	[sflag:s29] =	ssyncadd.s32 $0xFFFFFF80  }
0x87: {  	_ =	swait.ge [sflag:s31], $0x80  }
0x88: {  	[sflag:s31] =	ssyncset.done $0x0  }
0x89: {  	[sflag:s31] =	ssyncadd.s32 $0xFFFFFF80  }
0x8a: {  	_ =	swait.ge [sflag:s29], $0x80  }
0x8b: {  	[sflag:s29] =	ssyncset.done $0x0  }
0x8c: {  	[sflag:s29] =	ssyncadd.s32 $0xFFFFFF80  }
0x8d: {  	_ =	swait.ge [sflag:s31], $0x80  }
0x8e: {  	[sflag:s31] =	ssyncset.done $0x0  }
0x8f: {  	[sflag:s31] =	ssyncadd.s32 $0xFFFFFF80  }
0x90: {  	_ =	swait.ge [sflag:s29], $0x80  }
0x91: {  	[sflag:s29] =	ssyncset.done $0x0  }
0x92: {  	[sflag:s29] =	ssyncadd.s32 $0xFFFFFF80  }
0x93: {  	_ =	swait.ge [sflag:s31], $0x80  }
0x94: {  	[sflag:s31] =	ssyncset.done $0x0  }
0x95: {  	[sflag:s31] =	ssyncadd.s32 $0xFFFFFF80  }
0x96: {  	_ =	swait.ge [sflag:s29], $0x80  }
0x97: {  	[sflag:s29] =	ssyncset.done $0x0  }
0x98: {  	[sflag:s29] =	ssyncadd.s32 $0xFFFFFF80  }
0x99: {  	_ =	swait.ge [sflag:s31], $0x80  }
0x9a: {  	[sflag:s31] =	ssyncset.done $0x0  }
0x9b: {  	[sflag:s31] =	ssyncadd.s32 $0xFFFFFF80  }
0x9c: {  	_ =	swait.ge [sflag:s29], $0x80  }
0x9d: {  	[sflag:s29] =	ssyncset.done $0x0  }
0x9e: {  	[sflag:s29] =	ssyncadd.s32 $0xFFFFFF80  }
0x9f: {  	_ =	swait.ge [sflag:s31], $0x80  }
0xa0: {  	[sflag:s31] =	ssyncset.done $0x0  }
0xa1: {  	[sflag:s31] =	ssyncadd.s32 $0xFFFFFF80  }
0xa2: {  	_ =	swait.ge [sflag:s29], $0x80  }
0xa3: {  	[sflag:s29] =	ssyncset.done $0x0  }
0xa4: {  	[sflag:s29] =	ssyncadd.s32 $0xFFFFFF80  }
0xa5: {  	_ =	swait.ge [sflag:s31], $0x80  }
0xa6: {  	[sflag:s31] =	ssyncset.done $0x0  }
0xa7: {  	[sflag:s31] =	ssyncadd.s32 $0xFFFFFF80  }
0xa8: {  	_ =	swait.ge [sflag:s29], $0x80  }
0xa9: {  	[sflag:s29] =	ssyncset.done $0x0  }
0xaa: {  	[sflag:s29] =	ssyncadd.s32 $0xFFFFFF80  }
0xab: {  	_ =	swait.ge [sflag:s31], $0x80  }
0xac: {  	[sflag:s31] =	ssyncset.done $0x0  }
0xad: {  	[sflag:s31] =	ssyncadd.s32 $0xFFFFFF80  }
0xae: {  	_ =	swait.ge [sflag:s29], $0x80  }
0xaf: {  	[sflag:s29] =	ssyncset.done $0x0  }
0xb0: {  	[sflag:s29] =	ssyncadd.s32 $0xFFFFFF80  }
0xb1: {  	_ =	swait.ge [sflag:s31], $0x80  }
0xb2: {  	[sflag:s31] =	ssyncset.done $0x0  }
0xb3: {  	s12 =	simm.s32 $0x0;
	[sflag:s31] =	ssyncadd.s32 $0xFFFFFF80  }
0xb4: {  	v2 =	vld [tilespmem:s12+$0x1000]  }
0xb5: {  	v3 =	vld [tilespmem:s12+$0x1010]  }
0xb6: {  	v1 =	vld [tilespmem:s12+$0x1020]  }
0xb7: {  	v0 =	vld [tilespmem:s12+$0x1030]  }
0xb8: {  	v5 =	vld [tilespmem:s12+$0x800]  }
0xb9: {  	v6 =	vld [tilespmem:s12+$0x810]  }
0xba: {  	s16 =	simm.s32 $0x100;
	v4 =	vld [tilespmem:s12+$0x820]  }
.LBB2_2:
0xbb: {  	p0 =	sne.s32 s16, $0x1F00;
	v7 =	vld [tilespmem:s12+$0x830];
	_ =	sdelay $0x1  }
0xbc: {  	s19 =	sshra.s32 s16, $0x2;
	v5 =	vadd.f32 v2, v5  }
0xbd: {  	v2 =	vld [tilespmem:s19+$0x1000];
	v6 =	vadd.f32 v3, v6  }
0xbe: {  	v3 =	vld [tilespmem:s19+$0x1010];
	v5 =	vmul.f32 $5.000000000e-01, v5;
	v4 =	vadd.f32 v1, v4  }
.Ltmp0:
0xbf: {  	v1 =	vld [tilespmem:s19+$0x1020];
	v6 =	vmul.f32 $5.000000000e-01, v6;
	v7 =	vadd.f32 v0, v7;
	(pc) =	sbr.rel @p0 .LBB2_2-.Ltmp0, $4  }
0xc0: {  	v0 =	vld [tilespmem:s19+$0x1030];
	[tilespmem:s12+$0x800] =	vst v5;
	v4 =	vmul.f32 $5.000000000e-01, v4  }
0xc1: {  	v5 =	vld [tilespmem:s19+$0x800];
	[tilespmem:s12+$0x810] =	vst v6;
	v7 =	vmul.f32 $5.000000000e-01, v7  }
0xc2: {  	v6 =	vld [tilespmem:s19+$0x810];
	[tilespmem:s12+$0x820] =	vst v4  }
0xc3: {  	s16 =	sadd.s32 $0x100, s16;
	v4 =	vld [tilespmem:s19+$0x820];
	[tilespmem:s12+$0x830] =	vst v7;
	s12 =	smov.u32 s19  }
0xc4: {  	v7 =	vld [tilespmem:s12+$0x830];
	_ =	sdelay $0x1  }
0xc5: {  	v2 =	vadd.f32 v2, v5  }
0xc6: {  	v3 =	vadd.f32 v3, v6  }
0xc7: {  	v2 =	vmul.f32 $5.000000000e-01, v2;
	v1 =	vadd.f32 v1, v4  }
0xc8: {  	v3 =	vmul.f32 $5.000000000e-01, v3;
	v0 =	vadd.f32 v0, v7  }
0xc9: {  	[tilespmem:s12+$0x800] =	vst v2;
	v1 =	vmul.f32 $5.000000000e-01, v1  }
0xca: {  	s11 =	sadd.s32 $0x1, s11;
	[tilespmem:s12+$0x810] =	vst v3;
	v0 =	vmul.f32 $5.000000000e-01, v0  }
0xcb: {  	p0 =	sne.s32 s11, s7;
	[tilespmem:s12+$0x820] =	vst v1  }
.Ltmp1:
0xcc: {  	[tilespmem:s12+$0x830] =	vst v0;
	(pc) =	sbr.rel @p0 .LBB2_1-.Ltmp1, $4  }
0xcd: {  	[hbm4b:s6+s4] =	stream.linear.scatter [tilespmem:s10], [sflag:$0x3], $0x800, $0x38;
	[tilespmem:$0x1800] =	vst v63  }
0xce: {  	_ =	swait.ge [sflag:s8], $0x800  }
0xcf: {  	[sflag:s8] =	ssyncset.done $0x0  }
0xd0: {  	[sflag:s8] =	ssyncadd.s32 $0xFFFFF800  }
0xd1: {  	_ =	sfence.sel $0x180000  }
0xd2: {  	[bflag:$0x0] =	sbarrier.arrive $0xFFFF  }
0xd3: {  	_ =	strace $0x90000047  }
0xd4: {  	s0 =	stileid.u32;
	[bflag:$0x2] =	sbarrier.arrive $0xFFFF  }
0xd5: {  	p0 =	sne.s32 s0, $0x0;
	s0 =	rddreg [dreg:$0x4]  }
0xd6: {  	s0 =	sadd.s32 @!p0 $0x100000, s0  }
0xd7: {  	[sflag:s0] =	ssyncadd.tile.s32 @!p0 $0x1;
	_ =	shalt  }
.Lfunc_end2:
_tile_overlayer_lowered:
.L_overlay_start_2:
0xd8: {  	(tag) =	ssettag $0x2  }
0xd9: {  	s0 =	rddreg [dreg:$0x0];
	s2 =	stileid.u32  }
0xda: {  	s1 =	rddreg [dreg:$0x1];
	p0 =	sne.s32 s2, $0x0  }
0xdb: {  	s3 =	rddreg [dreg:$0x2];
	[bflag:$0x3] =	sbarrier.arrive $0xFFFF;
	s2 =	simm.s32 @!p0 $0x1C03  }
0xdc: {  	[timem:s3], [sflag:s2] =	dma.local @!p0 [hbm:s0], s1  }
0xdd: {  	s0 =	simm.s32 @!p0 $0x3  }
0xde: {  	_ =	swait.ge @!p0 [sflag:s0], s1  }
0xdf: {  	s1 =	ssub.s32 @!p0 $0x0, s1;
	[sflag:s0] =	ssyncset.done @!p0 $0x0  }
0xe0: {  	[sflag:s0] =	ssyncadd.s32 @!p0 s1  }
0xe1: {  	[bflag:$0x3] =	sbarrier.arrive $0xFFFF  }
0xe2: {  	_ =	shalt  }

</sc_bundles>
